<compile_context>
chip_gen: v7x
topology: tpu7x:2x2x1
jax: 0.10.2.dev20260603
libtpu: 0.0.44.dev20260713+nightly
codegen_flags: <defaults>
</compile_context>

<pallas_src>
import functools

import jax
import jax.numpy as jnp
from jax.experimental import pallas as pl
from jax.experimental.pallas import tpu as pltpu


def _fused_kernel(x_ref, wg_ref, combine_ref, disp_ref, laux_ref,
                  logits_s, acc_ref, carry_s, *, capacity):
    p = pl.program_id(0)
    b = pl.program_id(1)
    nb = pl.num_programs(1)
    bt = x_ref.shape[0]
    e = wg_ref.shape[1]
    nt = bt * nb
    cap = jnp.float32(capacity)

    @pl.when(p == 0)
    def _phase0():
        x = x_ref[...]
        wg = wg_ref[...]
        logits = jnp.dot(x, wg, preferred_element_type=jnp.float32)
        logits_s[pl.ds(b * bt, bt), :] = logits

        m = jnp.max(logits, axis=1, keepdims=True)
        ex = jnp.exp(logits - m)
        gates = ex / jnp.sum(ex, axis=1, keepdims=True)

        g1 = jnp.max(gates, axis=1, keepdims=True)
        iota_e = jax.lax.broadcasted_iota(
            jnp.int32, gates.shape, 1).astype(jnp.float32)
        cand = jnp.where(gates == g1, iota_e, float(e))
        e1 = jnp.min(cand, axis=1, keepdims=True)
        mask1 = (iota_e == e1).astype(jnp.float32)

        @pl.when(b == 0)
        def _():
            acc_ref[...] = jnp.zeros_like(acc_ref)

        acc_ref[0:1, :] += jnp.sum(gates, axis=0, keepdims=True)
        acc_ref[1:2, :] += jnp.sum(mask1, axis=0, keepdims=True)

        @pl.when(b == nb - 1)
        def _():
            ntf = jnp.float32(nt)
            me = acc_ref[0:1, :] / ntf
            ce = acc_ref[1:2, :] / ntf
            laux_ref[...] = jnp.sum(me * ce, keepdims=True) * jnp.float32(e)

    @pl.when(p == 1)
    def _route_and_expand():
        logits = logits_s[pl.ds(b * bt, bt), :]

        m = jnp.max(logits, axis=1, keepdims=True)
        ex = jnp.exp(logits - m)
        gates = ex / jnp.sum(ex, axis=1, keepdims=True)

        iota_e = jax.lax.broadcasted_iota(
            jnp.int32, gates.shape, 1).astype(jnp.float32)
        g1 = jnp.max(gates, axis=1, keepdims=True)
        cand1 = jnp.where(gates == g1, iota_e, float(e))
        e1 = jnp.min(cand1, axis=1, keepdims=True)
        mask1 = (iota_e == e1).astype(jnp.float32)

        masked = jnp.where(mask1 > 0, -jnp.float32(3.0e38), logits)
        m2 = jnp.max(masked, axis=1, keepdims=True)
        cand2 = jnp.where(masked == m2, iota_e, float(e))
        e2 = jnp.min(cand2, axis=1, keepdims=True)
        mask2 = (iota_e == e2).astype(jnp.float32)

        @pl.when(b == 0)
        def _():
            carry_s[...] = jnp.concatenate(
                [jnp.zeros((1, e), jnp.float32), acc_ref[1:2, :]], axis=1)

        iota_r = jax.lax.broadcasted_iota(jnp.int32, (bt, bt), 0)
        iota_c = jax.lax.broadcasted_iota(jnp.int32, (bt, bt), 1)
        tri = (iota_r >= iota_c).astype(jnp.float32)
        both = jnp.concatenate([mask1, mask2], axis=1)
        cs = jnp.dot(tri, both,
                     preferred_element_type=jnp.float32) + carry_s[...]
        carry_s[...] = cs[bt - 1:bt, :]

        loc1 = cs[:, :e] - 1.0
        loc2 = cs[:, e:] - 1.0

        mask1d = mask1 * (loc1 < cap).astype(jnp.float32)
        mask2d = mask2 * (loc2 < cap).astype(jnp.float32)

        loc1_s = jnp.sum(loc1 * mask1d, axis=1, keepdims=True)
        loc2_s = jnp.sum(loc2 * mask2d, axis=1, keepdims=True)

        g1_s = jnp.sum(gates * mask1d, axis=1, keepdims=True)
        g2_s = jnp.sum(gates * mask2d, axis=1, keepdims=True)
        denom = jnp.maximum(g1_s + g2_s,
                            jnp.float32(jnp.finfo(jnp.float32).eps))
        keep1 = jnp.sum(mask1d, axis=1, keepdims=True)
        keep2 = jnp.sum(mask2d, axis=1, keepdims=True)
        g1_s = g1_s / denom * keep1
        g2_s = g2_s / denom * keep2

        e1c = jnp.sum(iota_e * mask1, axis=1, keepdims=True)
        e2c = jnp.sum(iota_e * mask2, axis=1, keepdims=True)
        pos1 = e1c * cap + jnp.minimum(jnp.maximum(loc1_s, 0.0), cap - 1.0)
        pos2 = e2c * cap + jnp.minimum(jnp.maximum(loc2_s, 0.0), cap - 1.0)
        pos1i = pos1.astype(jnp.int32)
        pos2i = pos2.astype(jnp.int32)

        iota_ec = jax.lax.broadcasted_iota(
            jnp.int32, (bt, e * capacity), 1)
        zero = jnp.zeros((), jnp.float32)
        combine = (jnp.where(iota_ec == pos1i, g1_s, zero)
                   + jnp.where(iota_ec == pos2i, g2_s, zero))
        combine_ref[...] = combine
        disp_ref[...] = combine > 0.0


def kernel(input, wg):
    nt, d = input.shape
    e = wg.shape[1]
    capacity = max(int(2 * nt / e), 4)
    bt = 256
    nb = nt // bt

    combine, disp, laux = pl.pallas_call(
        functools.partial(_fused_kernel, capacity=capacity),
        grid=(2, nb),
        in_specs=[
            pl.BlockSpec((bt, d), lambda p, b: (b * (1 - p) + (nb - 1) * p, 0)),
            pl.BlockSpec((d, e), lambda p, b: (0, 0)),
        ],
        out_specs=[
            pl.BlockSpec((bt, e * capacity), lambda p, b: (b * p, 0)),
            pl.BlockSpec((bt, e * capacity), lambda p, b: (b * p, 0)),
            pl.BlockSpec((1, 1), lambda p, b: (0, 0)),
        ],
        out_shape=[
            jax.ShapeDtypeStruct((nt, e * capacity), jnp.float32),
            jax.ShapeDtypeStruct((nt, e * capacity), jnp.bool_),
            jax.ShapeDtypeStruct((1, 1), jnp.float32),
        ],
        scratch_shapes=[
            pltpu.VMEM((nt, e), jnp.float32),
            pltpu.VMEM((2, e), jnp.float32),
            pltpu.VMEM((1, 2 * e), jnp.float32),
        ],
        compiler_params=pltpu.CompilerParams(
            dimension_semantics=("arbitrary", "arbitrary")),
    )(input, wg)

    return (laux[0, 0],
            combine.reshape(nt, e, capacity),
            disp.reshape(nt, e, capacity))

# --- scband reference (transcript-rebuilt; emitter-appended) ---
"""Pipeline reference for scband-top-kgate-83305185673388 (READ-ONLY COPY).

The authoritative reference and input builder live on the scoring server;
editing this copy changes nothing except your own understanding.
"""

import jax, jax.numpy as jnp
import numpy as np

NUM_EXPERTS = 16
MODEL_DIM = 2048
NUM_TOKENS = 2048
CAPACITY_FACTOR = 1.0
MIN_CAPACITY = 4


def setup_inputs(seed=0) -> dict:
    key = jax.random.PRNGKey(seed)
    k1, k2 = jax.random.split(key)
    x = jax.random.normal(k1, (NUM_TOKENS, MODEL_DIM), dtype=jnp.float32)
    # gate projection weight (wg: Linear(model_dim, num_experts, bias=False)), stored as [d_model, E]
    wg = jax.random.normal(k2, (MODEL_DIM, NUM_EXPERTS), dtype=jnp.float32) * 0.02
    return {"input": x, "wg": wg}


def _one_hot(idx, n, dtype):
    return jax.nn.one_hot(idx, n, dtype=dtype)


def _top2gating(logits):
    # GShard / DeepSpeed-style top-2 gating (eval mode: no jitter / no gumbel noise)
    gates = jax.nn.softmax(logits, axis=1)
    num_tokens = gates.shape[0]
    num_experts = gates.shape[1]
    capacity = max(int(CAPACITY_FACTOR * 2 * num_tokens / num_experts), MIN_CAPACITY)

    # top-1 expert per token
    indices1_s = jnp.argmax(gates, axis=1)
    mask1 = _one_hot(indices1_s, num_experts, jnp.int32)

    # mask out top-1 expert, pick second expert
    logits_except1 = jnp.where(mask1.astype(bool), -jnp.inf, logits)
    indices2_s = jnp.argmax(logits_except1, axis=1)
    mask2 = _one_hot(indices2_s, num_experts, jnp.int32)

    # position-in-expert via cumsum over tokens
    locations1 = jnp.cumsum(mask1, axis=0) - 1
    locations2 = jnp.cumsum(mask2, axis=0) - 1
    locations2 = locations2 + jnp.sum(mask1, axis=0, keepdims=True)

    # load-balancing auxiliary loss
    me = jnp.mean(gates, axis=0)
    ce = jnp.mean(mask1.astype(jnp.float32), axis=0)
    l_aux = jnp.mean(me * ce) * num_experts * num_experts

    # drop tokens exceeding capacity
    mask1 = mask1 * (locations1 < capacity).astype(jnp.int32)
    mask2 = mask2 * (locations2 < capacity).astype(jnp.int32)

    locations1_s = jnp.sum(locations1 * mask1, axis=1)
    locations2_s = jnp.sum(locations2 * mask2, axis=1)

    mask1_f = mask1.astype(jnp.float32)
    mask2_f = mask2.astype(jnp.float32)
    gates1_s = jnp.einsum("se,se->s", gates, mask1_f)
    gates2_s = jnp.einsum("se,se->s", gates, mask2_f)
    denom_s = gates1_s + gates2_s
    denom_s = jnp.maximum(denom_s, jnp.finfo(gates.dtype).eps)
    gates1_s = gates1_s / denom_s
    gates2_s = gates2_s / denom_s

    gates1 = gates1_s[:, None] * mask1_f
    gates2 = gates2_s[:, None] * mask2_f
    locations1_sc = _one_hot(locations1_s, capacity, jnp.float32)
    locations2_sc = _one_hot(locations2_s, capacity, jnp.float32)
    combine1_sec = jnp.einsum("se,sc->sec", gates1, locations1_sc)
    combine2_sec = jnp.einsum("se,sc->sec", gates2, locations2_sc)
    combine_weights = combine1_sec + combine2_sec
    dispatch_mask = combine_weights > 0
    return l_aux, combine_weights, dispatch_mask


def reference(input, wg):
    # TAG_Transform disabled; gate computed in fp32 (GATE_FP32=True), no jitter (eval)
    input_fp32 = input.astype(jnp.float32)
    logits = input_fp32 @ wg
    return _top2gating(logits)

if __name__ == "__main__":
    import jax
    _d = setup_inputs()
    print(jax.jit(kernel)(*tuple(_d.values())))

</pallas_src>

<mosaic_0001>
module attributes {stable_mosaic.version = 14 : i64} {
  func.func @_fused_kernel(%arg0: i32, %arg1: i32, %arg2: memref<256x2048xf32, #tpu.memory_space<vmem>>, %arg3: memref<2048x16xf32, #tpu.memory_space<vmem>>, %arg4: memref<256x4096xf32, #tpu.memory_space<vmem>>, %arg5: memref<256x4096xi32, #tpu.memory_space<vmem>>, %arg6: memref<1x1xf32, #tpu.memory_space<vmem>>, %arg7: memref<2048x16xf32, #tpu.memory_space<vmem>>, %arg8: memref<2x16xf32, #tpu.memory_space<vmem>>, %arg9: memref<1x32xf32, #tpu.memory_space<vmem>>) attributes {dimension_semantics = [#tpu.dimension_semantics<arbitrary>, #tpu.dimension_semantics<arbitrary>], iteration_bounds = array<i64: 2, 8>, scalar_prefetch = 0 : i64, scratch_operands = 3 : i64, tpu.core_type = #tpu.core_type<tc>, window_params = [{transform_indices = @transform_0, window_bounds = array<i64: 256, 2048>}, {pipeline_mode = #tpu.pipeline_mode<synchronous>, transform_indices = @transform_1, window_bounds = array<i64: 2048, 16>}, {transform_indices = @transform_2, window_bounds = array<i64: 256, 4096>}, {transform_indices = @transform_3, window_bounds = array<i64: 256, 4096>}, {pipeline_mode = #tpu.pipeline_mode<synchronous>, transform_indices = @transform_4, window_bounds = array<i64: 1, 1>}]} {
    %eq3A = arith.constant 0 : i32
    %eq3A_0 = arith.cmpi eq, %arg0, %eq3A : i32
    %convert_element_type3A = arith.extui %eq3A_0 : i1 to i32
    %cond3A = arith.constant 0 : i32
    %cond3A_1 = arith.cmpi ne, %convert_element_type3A, %cond3A : i32
    scf.if %cond3A_1 {
      %get3A = arith.constant 0 : index
      %get3A_8 = arith.constant 0 : index
      %get3A_9 = vector.load %arg2[%get3A, %get3A_8] : memref<256x2048xf32, #tpu.memory_space<vmem>>, vector<256x2048xf32>
      %get3A_10 = arith.constant 0 : index
      %get3A_11 = arith.constant 0 : index
      %get3A_12 = vector.load %arg3[%get3A_10, %get3A_11] : memref<2048x16xf32, #tpu.memory_space<vmem>>, vector<2048x16xf32>
      %dot_general3A = arith.constant dense<0.000000e+00> : vector<256x16xf32>
      %dot_general3A_13 = tpu.matmul %get3A_9, %get3A_12, %dot_general3A {dimension_numbers = #tpu.dot_dimension_numbers<[1], [0], [0], [1], [0, 0, 1, 1], [], []>, transpose_lhs_hint = false} : vector<256x2048xf32>, vector<2048x16xf32>, vector<256x16xf32> -> vector<256x16xf32>
      %mul3A = arith.constant 256 : i32
      %mul3A_14 = arith.muli %arg1, %mul3A : i32
      %swap3A = arith.index_cast %mul3A_14 : i32 to index
      %swap3A_15 = arith.constant 0 : index
      %swap3A_16 = vector.load %arg7[%swap3A, %swap3A_15] : memref<2048x16xf32, #tpu.memory_space<vmem>>, vector<256x16xf32>
      tpu.vector_store %arg7[%swap3A, %swap3A_15], %dot_general3A_13 {strides = array<i32>} : memref<2048x16xf32, #tpu.memory_space<vmem>>, vector<256x16xf32>,
      %reduce_max3A = arith.constant dense<0xFF800000> : vector<256xf32>
      %reduce_max3A_17 = vector.multi_reduction <maximumf>, %dot_general3A_13, %reduce_max3A [1] : vector<256x16xf32> to vector<256xf32>
      %broadcast_in_dim3A = vector.shape_cast %reduce_max3A_17 : vector<256xf32> to vector<256x1xf32>
      %sub3A = vector.broadcast %broadcast_in_dim3A : vector<256x1xf32> to vector<256x16xf32>
      %sub3A_18 = arith.subf %dot_general3A_13, %sub3A : vector<256x16xf32>
      %exp3A = math.exp %sub3A_18 : vector<256x16xf32>
      %reduce_sum3A = arith.constant dense<0.000000e+00> : vector<256xf32>
      %reduce_sum3A_19 = vector.multi_reduction <add>, %exp3A, %reduce_sum3A [1] : vector<256x16xf32> to vector<256xf32>
      %broadcast_in_dim3A_20 = vector.shape_cast %reduce_sum3A_19 : vector<256xf32> to vector<256x1xf32>
      %div3A = vector.broadcast %broadcast_in_dim3A_20 : vector<256x1xf32> to vector<256x16xf32>
      %div3A_21 = arith.divf %exp3A, %div3A : vector<256x16xf32>
      %reduce_max3A_22 = arith.constant dense<0xFF800000> : vector<256xf32>
      %reduce_max3A_23 = vector.multi_reduction <maximumf>, %div3A_21, %reduce_max3A_22 [1] : vector<256x16xf32> to vector<256xf32>
      %broadcast_in_dim3A_24 = vector.shape_cast %reduce_max3A_23 : vector<256xf32> to vector<256x1xf32>
      %iota3A = tpu.iota {dimensions = array<i32: 1>} : vector<256x16xi32>
      %convert_element_type3A_25 = arith.sitofp %iota3A : vector<256x16xi32> to vector<256x16xf32>
      %eq3A_26 = vector.broadcast %broadcast_in_dim3A_24 : vector<256x1xf32> to vector<256x16xf32>
      %eq3A_27 = arith.cmpf oeq, %div3A_21, %eq3A_26 : vector<256x16xf32>
      %jit3A = arith.constant 1.600000e+01 : f32
      %broadcast_in_dim3A_28 = vector.broadcast %jit3A : f32 to vector<256x16xf32>
      %select_n3A = arith.select %eq3A_27, %convert_element_type3A_25, %broadcast_in_dim3A_28 : vector<256x16xi1>, vector<256x16xf32>
      %reduce_min3A = arith.constant dense<0x7F800000> : vector<256xf32>
      %reduce_min3A_29 = vector.multi_reduction <minimumf>, %select_n3A, %reduce_min3A [1] : vector<256x16xf32> to vector<256xf32>
      %broadcast_in_dim3A_30 = vector.shape_cast %reduce_min3A_29 : vector<256xf32> to vector<256x1xf32>
      %eq3A_31 = vector.broadcast %broadcast_in_dim3A_30 : vector<256x1xf32> to vector<256x16xf32>
      %eq3A_32 = arith.cmpf oeq, %convert_element_type3A_25, %eq3A_31 : vector<256x16xf32>
      %convert_element_type3A_33 = arith.extui %eq3A_32 : vector<256x16xi1> to vector<256x16xi32>
      %convert_element_type3A_34 = arith.sitofp %convert_element_type3A_33 : vector<256x16xi32> to vector<256x16xf32>
      %eq3A_35 = arith.constant 0 : i32
      %eq3A_36 = arith.cmpi eq, %arg1, %eq3A_35 : i32
      %convert_element_type3A_37 = arith.extui %eq3A_36 : i1 to i32
      %cond3A_38 = arith.constant 0 : i32
      %cond3A_39 = arith.cmpi ne, %convert_element_type3A_37, %cond3A_38 : i32
      scf.if %cond3A_39 {
        %broadcast_in_dim3A_64 = arith.constant 0.000000e+00 : f32
        %broadcast_in_dim3A_65 = vector.broadcast %broadcast_in_dim3A_64 : f32 to vector<2x16xf32>
        %swap3A_66 = arith.constant 0 : index
        %swap3A_67 = arith.constant 0 : index
        %swap3A_68 = vector.load %arg8[%swap3A_66, %swap3A_67] : memref<2x16xf32, #tpu.memory_space<vmem>>, vector<2x16xf32>
        tpu.vector_store %arg8[%swap3A_66, %swap3A_67], %broadcast_in_dim3A_65 {strides = array<i32>} : memref<2x16xf32, #tpu.memory_space<vmem>>, vector<2x16xf32>,
      } else {
      }
      %get3A_40 = arith.constant 0 : index
      %get3A_41 = arith.constant 0 : index
      %get3A_42 = vector.load %arg8[%get3A_40, %get3A_41] : memref<2x16xf32, #tpu.memory_space<vmem>>, vector<1x16xf32>
      %reduce_sum3A_43 = arith.constant dense<0.000000e+00> : vector<16xf32>
      %reduce_sum3A_44 = vector.multi_reduction <add>, %div3A_21, %reduce_sum3A_43 [0] : vector<256x16xf32> to vector<16xf32>
      %broadcast_in_dim3A_45 = vector.shape_cast %reduce_sum3A_44 : vector<16xf32> to vector<1x16xf32>
      %add3A = arith.addf %get3A_42, %broadcast_in_dim3A_45 : vector<1x16xf32>
      %swap3A_46 = arith.constant 0 : index
      %swap3A_47 = arith.constant 0 : index
      %swap3A_48 = vector.load %arg8[%swap3A_46, %swap3A_47] : memref<2x16xf32, #tpu.memory_space<vmem>>, vector<1x16xf32>
      tpu.vector_store %arg8[%swap3A_46, %swap3A_47], %add3A {strides = array<i32>} : memref<2x16xf32, #tpu.memory_space<vmem>>, vector<1x16xf32>,
      %get3A_49 = arith.constant 1 : index
      %get3A_50 = arith.constant 0 : index
      %get3A_51 = vector.load %arg8[%get3A_49, %get3A_50] : memref<2x16xf32, #tpu.memory_space<vmem>>, vector<1x16xf32>
      %reduce_sum3A_52 = arith.constant dense<0.000000e+00> : vector<16xf32>
      %reduce_sum3A_53 = vector.multi_reduction <add>, %convert_element_type3A_34, %reduce_sum3A_52 [0] : vector<256x16xf32> to vector<16xf32>
      %broadcast_in_dim3A_54 = vector.shape_cast %reduce_sum3A_53 : vector<16xf32> to vector<1x16xf32>
      %add3A_55 = arith.addf %get3A_51, %broadcast_in_dim3A_54 : vector<1x16xf32>
      %swap3A_56 = arith.constant 1 : index
      %swap3A_57 = arith.constant 0 : index
      %swap3A_58 = vector.load %arg8[%swap3A_56, %swap3A_57] : memref<2x16xf32, #tpu.memory_space<vmem>>, vector<1x16xf32>
      tpu.vector_store %arg8[%swap3A_56, %swap3A_57], %add3A_55 {strides = array<i32>} : memref<2x16xf32, #tpu.memory_space<vmem>>, vector<1x16xf32>,
      %eq3A_59 = arith.constant 7 : i32
      %eq3A_60 = arith.cmpi eq, %arg1, %eq3A_59 : i32
      %convert_element_type3A_61 = arith.extui %eq3A_60 : i1 to i32
      %cond3A_62 = arith.constant 0 : i32
      %cond3A_63 = arith.cmpi ne, %convert_element_type3A_61, %cond3A_62 : i32
      scf.if %cond3A_63 {
        %get3A_64 = arith.constant 0 : index
        %get3A_65 = arith.constant 0 : index
        %get3A_66 = vector.load %arg8[%get3A_64, %get3A_65] : memref<2x16xf32, #tpu.memory_space<vmem>>, vector<1x16xf32>
        %div3A_67 = arith.constant 2.048000e+03 : f32
        %div3A_68 = vector.broadcast %div3A_67 : f32 to vector<1x16xf32>
        %div3A_69 = arith.divf %get3A_66, %div3A_68 : vector<1x16xf32>
        %get3A_70 = arith.constant 1 : index
        %get3A_71 = arith.constant 0 : index
        %get3A_72 = vector.load %arg8[%get3A_70, %get3A_71] : memref<2x16xf32, #tpu.memory_space<vmem>>, vector<1x16xf32>
        %div3A_73 = arith.constant 2.048000e+03 : f32
        %div3A_74 = vector.broadcast %div3A_73 : f32 to vector<1x16xf32>
        %div3A_75 = arith.divf %get3A_72, %div3A_74 : vector<1x16xf32>
        %mul3A_76 = arith.mulf %div3A_69, %div3A_75 : vector<1x16xf32>
        %reduce_sum3A_77 = vector.shape_cast %mul3A_76 : vector<1x16xf32> to vector<1x1x16xf32>
        %reduce_sum3A_78 = arith.constant dense<0.000000e+00> : vector<1xf32>
        %reduce_sum3A_79 = vector.multi_reduction <add>, %reduce_sum3A_77, %reduce_sum3A_78 [1, 2] : vector<1x1x16xf32> to vector<1xf32>
        %reduce_sum3A_80 = vector.shape_cast %reduce_sum3A_79 : vector<1xf32> to vector<1x1x1xf32>
        %reduce_sum3A_81 = vector.extract %reduce_sum3A_80[0, 0, 0] : f32 from vector<1x1x1xf32>
        %broadcast_in_dim3A_82 = vector.broadcast %reduce_sum3A_81 : f32 to vector<1x1xf32>
        %mul3A_83 = arith.constant 1.600000e+01 : f32
        %mul3A_84 = vector.broadcast %mul3A_83 : f32 to vector<1x1xf32>
        %mul3A_85 = arith.mulf %broadcast_in_dim3A_82, %mul3A_84 : vector<1x1xf32>
        %swap3A_86 = arith.constant 0 : index
        %swap3A_87 = arith.constant 0 : index
        %swap3A_88 = vector.load %arg6[%swap3A_86, %swap3A_87] : memref<1x1xf32, #tpu.memory_space<vmem>>, vector<1x1xf32>
        tpu.vector_store %arg6[%swap3A_86, %swap3A_87], %mul3A_85 {strides = array<i32>} : memref<1x1xf32, #tpu.memory_space<vmem>>, vector<1x1xf32>,
      } else {
      }
    } else {
    }
    %eq3A_2 = arith.constant 1 : i32
    %eq3A_3 = arith.cmpi eq, %arg0, %eq3A_2 : i32
    %convert_element_type3A_4 = arith.extui %eq3A_3 : i1 to i32
    %cond3A_5 = arith.constant 2.560000e+02 : f32
    %cond3A_6 = arith.constant 0 : i32
    %cond3A_7 = arith.cmpi ne, %convert_element_type3A_4, %cond3A_6 : i32
    scf.if %cond3A_7 {
      %mul3A = arith.constant 256 : i32
      %mul3A_8 = arith.muli %arg1, %mul3A : i32
      %get3A = arith.index_cast %mul3A_8 : i32 to index
      %get3A_9 = arith.constant 0 : index
      %get3A_10 = vector.load %arg7[%get3A, %get3A_9] : memref<2048x16xf32, #tpu.memory_space<vmem>>, vector<256x16xf32>
      %reduce_max3A = arith.constant dense<0xFF800000> : vector<256xf32>
      %reduce_max3A_11 = vector.multi_reduction <maximumf>, %get3A_10, %reduce_max3A [1] : vector<256x16xf32> to vector<256xf32>
      %broadcast_in_dim3A = vector.shape_cast %reduce_max3A_11 : vector<256xf32> to vector<256x1xf32>
      %sub3A = vector.broadcast %broadcast_in_dim3A : vector<256x1xf32> to vector<256x16xf32>
      %sub3A_12 = arith.subf %get3A_10, %sub3A : vector<256x16xf32>
      %exp3A = math.exp %sub3A_12 : vector<256x16xf32>
      %reduce_sum3A = arith.constant dense<0.000000e+00> : vector<256xf32>
      %reduce_sum3A_13 = vector.multi_reduction <add>, %exp3A, %reduce_sum3A [1] : vector<256x16xf32> to vector<256xf32>
      %broadcast_in_dim3A_14 = vector.shape_cast %reduce_sum3A_13 : vector<256xf32> to vector<256x1xf32>
      %div3A = vector.broadcast %broadcast_in_dim3A_14 : vector<256x1xf32> to vector<256x16xf32>
      %div3A_15 = arith.divf %exp3A, %div3A : vector<256x16xf32>
      %iota3A = tpu.iota {dimensions = array<i32: 1>} : vector<256x16xi32>
      %convert_element_type3A_16 = arith.sitofp %iota3A : vector<256x16xi32> to vector<256x16xf32>
      %reduce_max3A_17 = arith.constant dense<0xFF800000> : vector<256xf32>
      %reduce_max3A_18 = vector.multi_reduction <maximumf>, %div3A_15, %reduce_max3A_17 [1] : vector<256x16xf32> to vector<256xf32>
      %broadcast_in_dim3A_19 = vector.shape_cast %reduce_max3A_18 : vector<256xf32> to vector<256x1xf32>
      %eq3A_20 = vector.broadcast %broadcast_in_dim3A_19 : vector<256x1xf32> to vector<256x16xf32>
      %eq3A_21 = arith.cmpf oeq, %div3A_15, %eq3A_20 : vector<256x16xf32>
      %jit3A = arith.constant 1.600000e+01 : f32
      %broadcast_in_dim3A_22 = vector.broadcast %jit3A : f32 to vector<256x16xf32>
      %select_n3A = arith.select %eq3A_21, %convert_element_type3A_16, %broadcast_in_dim3A_22 : vector<256x16xi1>, vector<256x16xf32>
      %reduce_min3A = arith.constant dense<0x7F800000> : vector<256xf32>
      %reduce_min3A_23 = vector.multi_reduction <minimumf>, %select_n3A, %reduce_min3A [1] : vector<256x16xf32> to vector<256xf32>
      %broadcast_in_dim3A_24 = vector.shape_cast %reduce_min3A_23 : vector<256xf32> to vector<256x1xf32>
      %eq3A_25 = vector.broadcast %broadcast_in_dim3A_24 : vector<256x1xf32> to vector<256x16xf32>
      %eq3A_26 = arith.cmpf oeq, %convert_element_type3A_16, %eq3A_25 : vector<256x16xf32>
      %convert_element_type3A_27 = arith.extui %eq3A_26 : vector<256x16xi1> to vector<256x16xi32>
      %convert_element_type3A_28 = arith.sitofp %convert_element_type3A_27 : vector<256x16xi32> to vector<256x16xf32>
      %gt3A = arith.constant 0.000000e+00 : f32
      %gt3A_29 = vector.broadcast %gt3A : f32 to vector<256x16xf32>
      %gt3A_30 = arith.cmpf ogt, %convert_element_type3A_28, %gt3A_29 : vector<256x16xf32>
      %neg3A = arith.constant 0.000000e+00 : f32
      %neg3A_31 = arith.constant 3.000000e+38 : f32
      %neg3A_32 = arith.subf %neg3A, %neg3A_31 : f32
      %broadcast_in_dim3A_33 = vector.broadcast %neg3A_32 : f32 to vector<256x16xf32>
      %select_n3A_34 = arith.select %gt3A_30, %broadcast_in_dim3A_33, %get3A_10 : vector<256x16xi1>, vector<256x16xf32>
      %reduce_max3A_35 = arith.constant dense<0xFF800000> : vector<256xf32>
      %reduce_max3A_36 = vector.multi_reduction <maximumf>, %select_n3A_34, %reduce_max3A_35 [1] : vector<256x16xf32> to vector<256xf32>
      %broadcast_in_dim3A_37 = vector.shape_cast %reduce_max3A_36 : vector<256xf32> to vector<256x1xf32>
      %eq3A_38 = vector.broadcast %broadcast_in_dim3A_37 : vector<256x1xf32> to vector<256x16xf32>
      %eq3A_39 = arith.cmpf oeq, %select_n3A_34, %eq3A_38 : vector<256x16xf32>
      %jit3A_40 = arith.constant 1.600000e+01 : f32
      %broadcast_in_dim3A_41 = vector.broadcast %jit3A_40 : f32 to vector<256x16xf32>
      %select_n3A_42 = arith.select %eq3A_39, %convert_element_type3A_16, %broadcast_in_dim3A_41 : vector<256x16xi1>, vector<256x16xf32>
      %reduce_min3A_43 = arith.constant dense<0x7F800000> : vector<256xf32>
      %reduce_min3A_44 = vector.multi_reduction <minimumf>, %select_n3A_42, %reduce_min3A_43 [1] : vector<256x16xf32> to vector<256xf32>
      %broadcast_in_dim3A_45 = vector.shape_cast %reduce_min3A_44 : vector<256xf32> to vector<256x1xf32>
      %eq3A_46 = vector.broadcast %broadcast_in_dim3A_45 : vector<256x1xf32> to vector<256x16xf32>
      %eq3A_47 = arith.cmpf oeq, %convert_element_type3A_16, %eq3A_46 : vector<256x16xf32>
      %convert_element_type3A_48 = arith.extui %eq3A_47 : vector<256x16xi1> to vector<256x16xi32>
      %convert_element_type3A_49 = arith.sitofp %convert_element_type3A_48 : vector<256x16xi32> to vector<256x16xf32>
      %eq3A_50 = arith.constant 0 : i32
      %eq3A_51 = arith.cmpi eq, %arg1, %eq3A_50 : i32
      %convert_element_type3A_52 = arith.extui %eq3A_51 : i1 to i32
      %cond3A_53 = arith.constant 0 : i32
      %cond3A_54 = arith.cmpi ne, %convert_element_type3A_52, %cond3A_53 : i32
      scf.if %cond3A_54 {
        %broadcast_in_dim3A_169 = arith.constant 0.000000e+00 : f32
        %broadcast_in_dim3A_170 = vector.broadcast %broadcast_in_dim3A_169 : f32 to vector<1x16xf32>
        %get3A_171 = arith.constant 1 : index
        %get3A_172 = arith.constant 0 : index
        %get3A_173 = vector.load %arg8[%get3A_171, %get3A_172] : memref<2x16xf32, #tpu.memory_space<vmem>>, vector<1x16xf32>
        %concatenate3A_174 = tpu.concatenate %broadcast_in_dim3A_170, %get3A_173 in 1 : vector<1x16xf32>, vector<1x16xf32> -> vector<1x32xf32>
        %swap3A_175 = arith.constant 0 : index
        %swap3A_176 = arith.constant 0 : index
        %swap3A_177 = vector.load %arg9[%swap3A_175, %swap3A_176] : memref<1x32xf32, #tpu.memory_space<vmem>>, vector<1x32xf32>
        tpu.vector_store %arg9[%swap3A_175, %swap3A_176], %concatenate3A_174 {strides = array<i32>} : memref<1x32xf32, #tpu.memory_space<vmem>>, vector<1x32xf32>,
      } else {
      }
      %iota3A_55 = tpu.iota {dimensions = array<i32: 0>} : vector<256x256xi32>
      %iota3A_56 = tpu.iota {dimensions = array<i32: 1>} : vector<256x256xi32>
      %ge3A = arith.cmpi sge, %iota3A_55, %iota3A_56 : vector<256x256xi32>
      %convert_element_type3A_57 = arith.extui %ge3A : vector<256x256xi1> to vector<256x256xi32>
      %convert_element_type3A_58 = arith.sitofp %convert_element_type3A_57 : vector<256x256xi32> to vector<256x256xf32>
      %concatenate3A = tpu.concatenate %convert_element_type3A_28, %convert_element_type3A_49 in 1 : vector<256x16xf32>, vector<256x16xf32> -> vector<256x32xf32>
      %dot_general3A = arith.constant dense<0.000000e+00> : vector<256x32xf32>
      %dot_general3A_59 = tpu.matmul %convert_element_type3A_58, %concatenate3A, %dot_general3A {dimension_numbers = #tpu.dot_dimension_numbers<[1], [0], [0], [1], [0, 0, 1, 1], [], []>, transpose_lhs_hint = false} : vector<256x256xf32>, vector<256x32xf32>, vector<256x32xf32> -> vector<256x32xf32>
      %get3A_60 = arith.constant 0 : index
      %get3A_61 = arith.constant 0 : index
      %get3A_62 = vector.load %arg9[%get3A_60, %get3A_61] : memref<1x32xf32, #tpu.memory_space<vmem>>, vector<1x32xf32>
      %add3A = vector.broadcast %get3A_62 : vector<1x32xf32> to vector<256x32xf32>
      %add3A_63 = arith.addf %dot_general3A_59, %add3A : vector<256x32xf32>
      %slice3A = vector.extract_strided_slice %add3A_63 {offsets = [255, 0], sizes = [1, 32], strides = [1, 1]} : vector<256x32xf32> to vector<1x32xf32>
      %swap3A = arith.constant 0 : index
      %swap3A_64 = arith.constant 0 : index
      %swap3A_65 = vector.load %arg9[%swap3A, %swap3A_64] : memref<1x32xf32, #tpu.memory_space<vmem>>, vector<1x32xf32>
      tpu.vector_store %arg9[%swap3A, %swap3A_64], %slice3A {strides = array<i32>} : memref<1x32xf32, #tpu.memory_space<vmem>>, vector<1x32xf32>,
      %slice3A_66 = vector.extract_strided_slice %add3A_63 {offsets = [0, 0], sizes = [256, 16], strides = [1, 1]} : vector<256x32xf32> to vector<256x16xf32>
      %sub3A_67 = arith.constant 1.000000e+00 : f32
      %sub3A_68 = vector.broadcast %sub3A_67 : f32 to vector<256x16xf32>
      %sub3A_69 = arith.subf %slice3A_66, %sub3A_68 : vector<256x16xf32>
      %slice3A_70 = vector.extract_strided_slice %add3A_63 {offsets = [0, 16], sizes = [256, 16], strides = [1, 1]} : vector<256x32xf32> to vector<256x16xf32>
      %sub3A_71 = arith.constant 1.000000e+00 : f32
      %sub3A_72 = vector.broadcast %sub3A_71 : f32 to vector<256x16xf32>
      %sub3A_73 = arith.subf %slice3A_70, %sub3A_72 : vector<256x16xf32>
      %lt3A = vector.broadcast %cond3A_5 : f32 to vector<256x16xf32>
      %lt3A_74 = arith.cmpf olt, %sub3A_69, %lt3A : vector<256x16xf32>
      %convert_element_type3A_75 = arith.extui %lt3A_74 : vector<256x16xi1> to vector<256x16xi32>
      %convert_element_type3A_76 = arith.sitofp %convert_element_type3A_75 : vector<256x16xi32> to vector<256x16xf32>
      %mul3A_77 = arith.mulf %convert_element_type3A_28, %convert_element_type3A_76 : vector<256x16xf32>
      %lt3A_78 = vector.broadcast %cond3A_5 : f32 to vector<256x16xf32>
      %lt3A_79 = arith.cmpf olt, %sub3A_73, %lt3A_78 : vector<256x16xf32>
      %convert_element_type3A_80 = arith.extui %lt3A_79 : vector<256x16xi1> to vector<256x16xi32>
      %convert_element_type3A_81 = arith.sitofp %convert_element_type3A_80 : vector<256x16xi32> to vector<256x16xf32>
      %mul3A_82 = arith.mulf %convert_element_type3A_49, %convert_element_type3A_81 : vector<256x16xf32>
      %mul3A_83 = arith.mulf %sub3A_69, %mul3A_77 : vector<256x16xf32>
      %reduce_sum3A_84 = arith.constant dense<0.000000e+00> : vector<256xf32>
      %reduce_sum3A_85 = vector.multi_reduction <add>, %mul3A_83, %reduce_sum3A_84 [1] : vector<256x16xf32> to vector<256xf32>
      %broadcast_in_dim3A_86 = vector.shape_cast %reduce_sum3A_85 : vector<256xf32> to vector<256x1xf32>
      %mul3A_87 = arith.mulf %sub3A_73, %mul3A_82 : vector<256x16xf32>
      %reduce_sum3A_88 = arith.constant dense<0.000000e+00> : vector<256xf32>
      %reduce_sum3A_89 = vector.multi_reduction <add>, %mul3A_87, %reduce_sum3A_88 [1] : vector<256x16xf32> to vector<256xf32>
      %broadcast_in_dim3A_90 = vector.shape_cast %reduce_sum3A_89 : vector<256xf32> to vector<256x1xf32>
      %mul3A_91 = arith.mulf %div3A_15, %mul3A_77 : vector<256x16xf32>
      %reduce_sum3A_92 = arith.constant dense<0.000000e+00> : vector<256xf32>
      %reduce_sum3A_93 = vector.multi_reduction <add>, %mul3A_91, %reduce_sum3A_92 [1] : vector<256x16xf32> to vector<256xf32>
      %broadcast_in_dim3A_94 = vector.shape_cast %reduce_sum3A_93 : vector<256xf32> to vector<256x1xf32>
      %mul3A_95 = arith.mulf %div3A_15, %mul3A_82 : vector<256x16xf32>
      %reduce_sum3A_96 = arith.constant dense<0.000000e+00> : vector<256xf32>
      %reduce_sum3A_97 = vector.multi_reduction <add>, %mul3A_95, %reduce_sum3A_96 [1] : vector<256x16xf32> to vector<256xf32>
      %broadcast_in_dim3A_98 = vector.shape_cast %reduce_sum3A_97 : vector<256xf32> to vector<256x1xf32>
      %add3A_99 = arith.addf %broadcast_in_dim3A_94, %broadcast_in_dim3A_98 : vector<256x1xf32>
      %max3A = arith.constant 1.1920929E-7 : f32
      %max3A_100 = vector.broadcast %max3A : f32 to vector<256x1xf32>
      %max3A_101 = arith.maximumf %add3A_99, %max3A_100 : vector<256x1xf32>
      %reduce_sum3A_102 = arith.constant dense<0.000000e+00> : vector<256xf32>
      %reduce_sum3A_103 = vector.multi_reduction <add>, %mul3A_77, %reduce_sum3A_102 [1] : vector<256x16xf32> to vector<256xf32>
      %broadcast_in_dim3A_104 = vector.shape_cast %reduce_sum3A_103 : vector<256xf32> to vector<256x1xf32>
      %reduce_sum3A_105 = arith.constant dense<0.000000e+00> : vector<256xf32>
      %reduce_sum3A_106 = vector.multi_reduction <add>, %mul3A_82, %reduce_sum3A_105 [1] : vector<256x16xf32> to vector<256xf32>
      %broadcast_in_dim3A_107 = vector.shape_cast %reduce_sum3A_106 : vector<256xf32> to vector<256x1xf32>
      %div3A_108 = arith.divf %broadcast_in_dim3A_94, %max3A_101 : vector<256x1xf32>
      %mul3A_109 = arith.mulf %div3A_108, %broadcast_in_dim3A_104 : vector<256x1xf32>
      %div3A_110 = arith.divf %broadcast_in_dim3A_98, %max3A_101 : vector<256x1xf32>
      %mul3A_111 = arith.mulf %div3A_110, %broadcast_in_dim3A_107 : vector<256x1xf32>
      %mul3A_112 = arith.mulf %convert_element_type3A_16, %convert_element_type3A_28 : vector<256x16xf32>
      %reduce_sum3A_113 = arith.constant dense<0.000000e+00> : vector<256xf32>
      %reduce_sum3A_114 = vector.multi_reduction <add>, %mul3A_112, %reduce_sum3A_113 [1] : vector<256x16xf32> to vector<256xf32>
      %broadcast_in_dim3A_115 = vector.shape_cast %reduce_sum3A_114 : vector<256xf32> to vector<256x1xf32>
      %mul3A_116 = arith.mulf %convert_element_type3A_16, %convert_element_type3A_49 : vector<256x16xf32>
      %reduce_sum3A_117 = arith.constant dense<0.000000e+00> : vector<256xf32>
      %reduce_sum3A_118 = vector.multi_reduction <add>, %mul3A_116, %reduce_sum3A_117 [1] : vector<256x16xf32> to vector<256xf32>
      %broadcast_in_dim3A_119 = vector.shape_cast %reduce_sum3A_118 : vector<256xf32> to vector<256x1xf32>
      %mul3A_120 = vector.broadcast %cond3A_5 : f32 to vector<256x1xf32>
      %mul3A_121 = arith.mulf %broadcast_in_dim3A_115, %mul3A_120 : vector<256x1xf32>
      %max3A_122 = arith.constant 0.000000e+00 : f32
      %max3A_123 = vector.broadcast %max3A_122 : f32 to vector<256x1xf32>
      %max3A_124 = arith.maximumf %broadcast_in_dim3A_86, %max3A_123 : vector<256x1xf32>
      %sub3A_125 = arith.constant 1.000000e+00 : f32
      %sub3A_126 = arith.subf %cond3A_5, %sub3A_125 : f32
      %min3A = vector.broadcast %sub3A_126 : f32 to vector<256x1xf32>
      %min3A_127 = arith.minimumf %max3A_124, %min3A : vector<256x1xf32>
      %add3A_128 = arith.addf %mul3A_121, %min3A_127 : vector<256x1xf32>
      %mul3A_129 = vector.broadcast %cond3A_5 : f32 to vector<256x1xf32>
      %mul3A_130 = arith.mulf %broadcast_in_dim3A_119, %mul3A_129 : vector<256x1xf32>
      %max3A_131 = arith.constant 0.000000e+00 : f32
      %max3A_132 = vector.broadcast %max3A_131 : f32 to vector<256x1xf32>
      %max3A_133 = arith.maximumf %broadcast_in_dim3A_90, %max3A_132 : vector<256x1xf32>
      %sub3A_134 = arith.constant 1.000000e+00 : f32
      %sub3A_135 = arith.subf %cond3A_5, %sub3A_134 : f32
      %min3A_136 = vector.broadcast %sub3A_135 : f32 to vector<256x1xf32>
      %min3A_137 = arith.minimumf %max3A_133, %min3A_136 : vector<256x1xf32>
      %add3A_138 = arith.addf %mul3A_130, %min3A_137 : vector<256x1xf32>
      %convert_element_type3A_139 = arith.fptosi %add3A_128 : vector<256x1xf32> to vector<256x1xi32>
      %convert_element_type3A_140 = arith.fptosi %add3A_138 : vector<256x1xf32> to vector<256x1xi32>
      %iota3A_141 = tpu.iota {dimensions = array<i32: 1>} : vector<256x4096xi32>
      %eq3A_142 = vector.broadcast %convert_element_type3A_139 : vector<256x1xi32> to vector<256x4096xi32>
      %eq3A_143 = arith.cmpi eq, %iota3A_141, %eq3A_142 : vector<256x4096xi32>
      %jit3A_144 = arith.constant 0.000000e+00 : f32
      %broadcast_in_dim3A_145 = vector.shape_cast %mul3A_109 : vector<256x1xf32> to vector<256x1xf32>
      %broadcast_in_dim3A_146 = vector.broadcast %broadcast_in_dim3A_145 : vector<256x1xf32> to vector<256x4096xf32>
      %broadcast_in_dim3A_147 = vector.broadcast %jit3A_144 : f32 to vector<256x4096xf32>
      %select_n3A_148 = arith.select %eq3A_143, %broadcast_in_dim3A_146, %broadcast_in_dim3A_147 : vector<256x4096xi1>, vector<256x4096xf32>
      %eq3A_149 = vector.broadcast %convert_element_type3A_140 : vector<256x1xi32> to vector<256x4096xi32>
      %eq3A_150 = arith.cmpi eq, %iota3A_141, %eq3A_149 : vector<256x4096xi32>
      %jit3A_151 = arith.constant 0.000000e+00 : f32
      %broadcast_in_dim3A_152 = vector.shape_cast %mul3A_111 : vector<256x1xf32> to vector<256x1xf32>
      %broadcast_in_dim3A_153 = vector.broadcast %broadcast_in_dim3A_152 : vector<256x1xf32> to vector<256x4096xf32>
      %broadcast_in_dim3A_154 = vector.broadcast %jit3A_151 : f32 to vector<256x4096xf32>
      %select_n3A_155 = arith.select %eq3A_150, %broadcast_in_dim3A_153, %broadcast_in_dim3A_154 : vector<256x4096xi1>, vector<256x4096xf32>
      %add3A_156 = arith.addf %select_n3A_148, %select_n3A_155 : vector<256x4096xf32>
      %swap3A_157 = arith.constant 0 : index
      %swap3A_158 = arith.constant 0 : index
      %swap3A_159 = vector.load %arg4[%swap3A_157, %swap3A_158] : memref<256x4096xf32, #tpu.memory_space<vmem>>, vector<256x4096xf32>
      tpu.vector_store %arg4[%swap3A_157, %swap3A_158], %add3A_156 {strides = array<i32>} : memref<256x4096xf32, #tpu.memory_space<vmem>>, vector<256x4096xf32>,
      %gt3A_160 = arith.constant 0.000000e+00 : f32
      %gt3A_161 = vector.broadcast %gt3A_160 : f32 to vector<256x4096xf32>
      %gt3A_162 = arith.cmpf ogt, %add3A_156, %gt3A_161 : vector<256x4096xf32>
      %swap3A_163 = arith.constant 0 : index
      %swap3A_164 = arith.constant 0 : index
      %swap3A_165 = vector.load %arg5[%swap3A_163, %swap3A_164] : memref<256x4096xi32, #tpu.memory_space<vmem>>, vector<256x4096xi32>
      %swap3A_166 = arith.extui %gt3A_162 : vector<256x4096xi1> to vector<256x4096xi32>
      %swap3A_167 = arith.constant dense<0> : vector<256x4096xi32>
      %swap3A_168 = arith.cmpi ne, %swap3A_165, %swap3A_167 : vector<256x4096xi32>
      tpu.vector_store %arg5[%swap3A_163, %swap3A_164], %swap3A_166 {strides = array<i32>} : memref<256x4096xi32, #tpu.memory_space<vmem>>, vector<256x4096xi32>,
    } else {
    }
    return
  }
  func.func @transform_0(%arg0: i32, %arg1: i32) -> (i32, i32) {
    %sub3A = arith.constant 1 : i32
    %sub3A_0 = arith.subi %sub3A, %arg0 : i32
    %mul3A = arith.muli %arg1, %sub3A_0 : i32
    %mul3A_1 = arith.constant 7 : i32
    %mul3A_2 = arith.muli %mul3A_1, %arg0 : i32
    %add3A = arith.addi %mul3A, %mul3A_2 : i32
    %c0_i32 = arith.constant 0 : i32
    %c0_i32_3 = arith.constant 0 : i32
    return %add3A, %c0_i32 : i32, i32
  }
  func.func @transform_1(%arg0: i32, %arg1: i32) -> (i32, i32) {
    %c0_i32 = arith.constant 0 : i32
    %c0_i32_0 = arith.constant 0 : i32
    %c0_i32_1 = arith.constant 0 : i32
    return %c0_i32, %c0_i32_0 : i32, i32
  }
  func.func @transform_2(%arg0: i32, %arg1: i32) -> (i32, i32) {
    %mul3A = arith.muli %arg1, %arg0 : i32
    %c0_i32 = arith.constant 0 : i32
    %c0_i32_0 = arith.constant 0 : i32
    return %mul3A, %c0_i32 : i32, i32
  }
  func.func @transform_3(%arg0: i32, %arg1: i32) -> (i32, i32) {
    %mul3A = arith.muli %arg1, %arg0 : i32
    %c0_i32 = arith.constant 0 : i32
    %c0_i32_0 = arith.constant 0 : i32
    return %mul3A, %c0_i32 : i32, i32
  }
  func.func @transform_4(%arg0: i32, %arg1: i32) -> (i32, i32) {
    %c0_i32 = arith.constant 0 : i32
    %c0_i32_0 = arith.constant 0 : i32
    %c0_i32_1 = arith.constant 0 : i32
    return %c0_i32, %c0_i32_0 : i32, i32
  }
}

</mosaic_0001>

<sc_bundles>
// kernel: sparse-core-data-format-call.cloned.1.call-start
scs
called_computation_lowered:
.L_overlay_start_0:
0x0: {  	s2 =	sld [smem:$0x3FD9]  }
0x1: {  	s3 =	sld [smem:$0x3FFE];
	_ =	sdelay $0x1  }
0x2: {  	s1 =	srdreg.scid  }
0x3: {  	s0 =	sand.u32 $0x1, s1  }
0x4: {  	s15 =	sshll.u32 s0, $0xA;
	s2 =	sadd.s32 s3, s2  }
0x5: {  	s2 =	sadd.s32 s2, s15  }
0x6: {  	[smem:$0x3FC6] =	sst s2  }
0x7: {  	_ = 	snop  }
0x8: {  	s2 =	sld [smem:$0x3FD0];
	_ =	sdelay $0x2  }
0x9: {  	s16 =	simm.s32 $0xA;
	s4 =	simm.s32 $0x10  }
0xa: {  	[smem:s4], [sflag:s16] =	dma.local [hbm:s2], $0x1  }
0xb: {  	_ =	swait.eq [sflag:s16], $0x1  }
0xc: {  	[sflag:s16] =	ssyncset.done $0x0  }
0xd: {  	[sflag:s16] =	ssyncadd.s32 $0xFFFFFFFF  }
0xe: {  	s17 =	sld [smem:$0x11];
	(tm) =	ssettm $0x1  }
0xf: {  	s18 =	sld [smem:$0x3FFB];
	_ =	sdelay $0x3  }
0x10: {  	_ =	strace s18  }
0x11: {  	s3 =	sld [smem:$0x3FFC];
	_ =	sdelay $0x3  }
0x12: {  	_ =	strace s3  }
0x13: {  	s3 =	sld [smem:$0x3FFD];
	_ =	sdelay $0x3  }
0x14: {  	_ =	strace s3  }
0x15: {  	_ =	strace $0x8FFFFFFF  }
0x16: {  	s19 =	sld [smem:$0x3FDB];
	_ =	sdelay $0x1  }
0x17: {  	s20 =	simm.s32 $_scs_section_size  }
0x18: {  	s5 =	simm.s32 $_size__tile_overlayer_lowered;
	s6 =	simm.s32 $_tile_overlayer_lowered  }
0x19: {  	s23 =	simm.s32 $0x1BFF;
	s22 =	sshll.u32 s6, $0x1;
	s3 =	sadd.s32 s20, s19  }
0x1a: {  	s7 =	simm.s32 $0x0;
	s21 =	sshll.u32 s5, $0x1;
	s5 =	sadd.s32 s22, s3  }
0x1b: {  	[timem:s7], [sflag:s23] =	dma.local [hbm:s5], s21  }
0x1c: {  	_ =	swait.ge [sflag:s23], s21  }
0x1d: {  	s4 =	ssub.s32 $0x0, s21;
	[sflag:s23] =	ssyncset.done $0x0  }
0x1e: {  	[sflag:s23] =	ssyncadd.s32 s4;
	_ =	sdelay $0x1  }
0x1f: {  	s24 =	simm.s32 $0x1B8B  }
0x20: {  	_ =	swait.ge [sflag:s24], $0x1  }
0x21: {  	[sflag:s24] =	ssyncset.done $0x0  }
0x22: {  	s26 =	simm.s32 $0x1B8E;
	s25 =	sld [smem:$0x3FFE];
	[sflag:s24] =	ssyncadd.s32 $0xFFFFFFFF  }
0x23: {  	s27 =	simm.s32 $execute0_lowered;
	[smem:$0x3FD2] =	sst s26  }
0x24: {  	s5 =	sshll.u32 s27, $0x1;
	_ =	strace $0x80000046;
	[dreg:$0x1] =	wrdreg $0xFFFFFFFF  }
0x25: {  	s28 =	simm.s32 $_size_execute0_lowered;
	s3 =	sadd.s32 s3, s5;
	[dreg:$0x0] =	wrdreg $0x0  }
0x26: {  	s5 =	sshll.u32 s28, $0x1;
	[dreg:$0x2] =	wrdreg s3  }
0x27: {  	[dreg:$0x3] =	wrdreg s5  }
0x28: {  	[dreg:$0x4] =	wrdreg $0xC0  }
0x29: {  	_ =	task [dreg:s7], $0x5FFFF  }
0x2a: {  	[dreg:$0x1] =	wrdreg $0xFFFFFFFF  }
0x2b: {  	[dreg:$0x0] =	wrdreg $0x60  }
0x2c: {  	[dreg:$0x2] =	wrdreg s25  }
0x2d: {  	[dreg:$0x3] =	wrdreg s17  }
0x2e: {  	[dreg:$0x4] =	wrdreg $0x9  }
0x2f: {  	_ =	task.clear_ibuf [dreg:s7], $0x5FFFF;
	_ =	strace $0x90000046  }
0x30: {  	s29 =	simm.s32 $0x9;
	_ =	strace $0x80000048  }
0x31: {  	_ =	swait.ge [sflag:s29], $0x1  }
0x32: {  	[sflag:s29] =	ssyncadd.s32 $0xFFFFFFFF  }
0x33: {  	_ =	strace $0x90000048  }
0x34: {  	_ =	sfence  }
0x35: {  	s30 =	sld [smem:$0x0];
	_ =	sdelay $0x2  }
0x36: {  	s31 =	sshll.u32 s1, $0xD;
	s1 =	sshrl.u32 s1, $0x2  }
0x37: {  	s3 =	sand.u32 $0x4000, s31;
	s1 =	sadd.s32 s1, s30  }
0x38: {  	s0 =	sor.u32 s3, s0;
	s1 =	sshll.u32 s1, $0x11  }
0x39: {  	s0 =	sor.u32 s1, s0  }
0x3a: {  	s0 =	sadd.s32 $0x8F2B, s0  }
0x3b: {  	[sflag:s0] =	ssyncadd.remote.s32 $0x1  }
0x3c: {  	_ =	sfence.sel $0xFFFF  }
0x3d: {  	[dreg:$0x0] =	wrdreg $0xFFFFFFFF;
	(pc) =	sbr.abs _section_cstart, $3  }
0x3e: {  	[dreg:$0x1] =	wrdreg $0xFFFFFFFF  }
0x3f: {  	_ =	task.clear_ibuf [dreg:s7], $0x2FFFF;
	_ =	strace $0x9FFFFFFF  }
0x40: {  	(tm) =	ssettm $0x7FFFFFFF  }
0x41: {  	_ =	shalt  }
tec
execute0_lowered:
.L_overlay_start_1:
0x0: {  	(tag) =	ssettag $0x1  }
0x1: {  	s1 =	rddreg [dreg:$0x0]  }
0x2: {  	s2 =	rddreg [dreg:$0x1]  }
0x3: {  	s0 =	rddreg [dreg:$0x2]  }
0x4: {  	_ =	strace $0x80000047;
	s4 =	srdreg.scid;
	s6 =	simm.s32 $0x2  }
0x5: {  	s11 =	simm.s32 $0x0;
	p0 =	por $0x0, $0x0;
	s7 =	simm.s32 $0x1000  }
.Ltmp0:
0x6: {  	s12 =	simm.s32 $0x0;
	s9 =	simm.s32 $0x0;
	(pc) =	sbr.rel .LBB1_1-.Ltmp0, $4  }
0x7: {  	s8 =	simm.s32 $0x0;
	s3 =	sadd.s32 $0x100800, s1;
	s5 =	sshll.u32 s4, $0x4  }
0x8: {  	s1 =	stileid.u32;
	s4 =	simm.s32 $0x1;
	s5 =	sand.u32 $0x10, s5  }
0x9: {  	s18 =	simm.s32 $0x0;
	[sflag:s4] =	ssyncpa.u1 $0x0;
	s5 =	sor.u32 s1, s5  }
0xa: {  	[sflag:s6] =	ssyncpa.u1 $0x0;
	s6 =	simm.s32 $0x800;
	s10 =	smov.u32 s5  }
.LBB1_7:
0xb: {  	s13 =	sadd.s32 $0x8, s9  }
0xc: {  	s11 =	sadd.s32 $0x20, s10;
	s15 =	smov.u32 s10;
	p2 =	sgt.s32 s13, $0xF  }
0xd: {  	p1 =	slt.u32 s8, $0x2;
	s15 =	smov.u32 @p2 s11  }
0xe: {  	s8 =	sadd.s32 $0x1, s8;
	s13 =	simm.s32 @p2 $0x0;
	p2 =	sgt.s32 s15, $0xFF  }
0xf: {  	s15 =	smov.u32 @p2 s5;
	p2 =	sne.s32 s8, $0x12  }
.Ltmp1:
0x10: {  	_ = 	snop;
	(pc) =	sbr.rel @!p2 .LBB1_8-.Ltmp1, $4  }
0x11: {  	s14 =	simm.s32 @!p1 $0x2  }
0x12: {  	s12 =	smov.u32 s10;
	_ =	swait.ge @!p1 [sflag:s14], $0x4000  }
0x13: {  	p0 =	por !p0, !p0;
	s11 =	smov.u32 s9;
	[sflag:s14] =	ssyncset.done @!p1 $0x0  }
0x14: {  	s9 =	smov.u32 s13;
	[sflag:s14] =	ssyncadd.s32 @!p1 $0xFFFFC000;
	s10 =	smov.u32 s15  }
.LBB1_1:
0x15: {  	p1 =	sgt.u32 s8, $0xF  }
0x16: {  	s13 =	sxor.u32 @!p1 $0xFFFFFFFF, s8;
	s14 =	sshll.u32 @!p1 s10, $0xC  }
0x17: {  	s15 =	sshll.u32 @!p1 s9, $0x8;
	s13 =	sshll.u32 @!p1 s13, $0xE;
	s14 =	sadd.s32 @!p1 s3, s14  }
0x18: {  	s13 =	sand.u32 @!p1 $0x4000, s13;
	s14 =	sadd.s32 @!p1 s15, s14;
	s15 =	simm.s32 @!p1 $0x0  }
0x19: {  	[tilespmem:s13], [sflag:$0x1] =	stream.linear.gather @!p1 [hbm4b:s14+s15], $0x4000, $0x38;
	[tilespmem:$0x10000] =	vst v63  }
0x1a: {  	p1 =	seq.s32 s8, $0x0  }
0x1b: {  	p2 =	seq.s32 @!p1 s8, $0x11  }
0x1c: {  	p1 =	por p1, p2  }
.Ltmp2:
0x1d: {  	_ = 	snop;
	(pc) =	sbr.rel @p1 .LBB1_7-.Ltmp2, $1  }
0x1e: {  	_ =	sdelay $0x3  }
0x1f: {  	s13 =	simm.s32 $0x1  }
0x20: {  	_ =	swait.ge [sflag:s4], $0x4000;
	s31 =	sshll.u32 s8, $0xE;
	p1 =	por $0x0, $0x0  }
0x21: {  	s19 =	simm.s32 $0x0;
	s20 =	simm.s32 $0x0;
	s13 =	simm.s32 @!p0 $0x0  }
0x22: {  	[sflag:s4] =	ssyncset.done $0x0;
	s16 =	sand.u32 $0x4000, s31;
	s13 =	sshll.u32 s13, $0x10  }
0x23: {  	[sflag:s4] =	ssyncadd.s32 $0xFFFFC000;
	s17 =	sshrl.u32 s13, $0x2;
	s13 =	sor.u32 $0x8000, s16  }
0x24: {  	s14 =	sor.u32 $0x40, s17;
	s15 =	sor.u32 $0x8410, s17;
	s17 =	sadd.s32 $0x8400, s17  }
.LBB1_3:
0x25: {  	v1 =	vld [tilespmem:s14+$0xFFFFFFD0]  }
0x26: {  	v2 =	vld [tilespmem:s14+$0x430]  }
0x27: {  	s21 =	sshll.u32 s20, $0xB;
	v4 =	vld [tilespmem:s14+$0xFFFFFFE0]  }
0x28: {  	v7 =	vld [tilespmem:s14+$0xFFFFFFF0];
	v0 =	vmov s21  }
0x29: {  	v8 =	vld [tilespmem:s14+$0x0]  }
0x2a: {  	s30 =	sand.u32 $0x300, s18;
	v9 =	vld [tilespmem:s14+$0x10]  }
0x2b: {  	s22 =	sand.u32 $0x80, s18;
	v10 =	vld [tilespmem:s14+$0x20];
	s21 =	sadd.s32 s30, s16  }
0x2c: {  	v11 =	vld [tilespmem:s14+$0x30];
	s21 =	sadd.s32 s22, s21;
	s22 =	simm.s32 $0x1;
	[tilespmem:s15+$0x60] =	vst v2  }
0x2d: {  	s31 =	sshll.u32 s19, $0x2;
	s22 =	simm.s32 @!p1 $0x0;
	[tilespmem:s15+$0xFFFFFC00] =	vst v1;
	v3 =	vld.idx.msk [tilespmem:v0+s21+$0x400 ss:$0x1], $0xffff  }
0x2e: {  	v6 =	vld [tilespmem:s14+$0x3D0];
	s22 =	sshll.u32 s22, $0x9;
	[tilespmem:s15+$0xFFFFFC10] =	vst v4;
	s21 =	sand.u32 $0xFFFFFC00, s31  }
0x2f: {  	v5 =	vld [tilespmem:s14+$0x3E0];
	[tilespmem:s15+$0xFFFFFC20] =	vst v7;
	s21 =	sor.u32 s22, s21  }
0x30: {  	[tilespmem:s15+$0xFFFFFC30] =	vst v8;
	v4 =	vld [tilespmem:s14+$0x400];
	s21 =	sshrl.u32 s21, $0x2  }
0x31: {  	[tilespmem:s15+$0xFFFFFC40] =	vst v9;
	v1 =	vld [tilespmem:s14+$0x410];
	s21 =	sadd.s32 s21, s17  }
0x32: {  	[tilespmem:s21+$0x0] =	vst v3;
	v3 =	vld [tilespmem:s14+$0x3F0]  }
0x33: {  	s25 =	simm.s32 $0x80;
	s24 =	simm.s32 $0x100;
	[tilespmem:s15+$0xFFFFFC50] =	vst v10;
	v2 =	vld [tilespmem:s14+$0x420]  }
0x34: {  	s23 =	smov.u32 s15;
	s26 =	sand.u32 $0x300, s25;
	v7 =	vld [tilespmem:s14+$0xFFFFFFC0];
	[tilespmem:s15+$0xFFFFFC60] =	vst v11;
	s22 =	sadd.s32 $0x80, s14  }
.LBB1_4:
0x35: {  	p2 =	sne.s32 s24, $0x380;
	v8 =	vld [tilespmem:s22+$0xFFFFFFD0];
	s25 =	sand.u32 $0x80, s25;
	s26 =	sadd.s32 s26, s16;
	[tilespmem:s23+$0x0] =	vst v6  }
0x36: {  	s26 =	sadd.s32 s25, s26;
	v6 =	vld [tilespmem:s22+$0x430];
	[tilespmem:s23+$0x10] =	vst v5;
	s25 =	smov.u32 s24  }
0x37: {  	v5 =	vld.idx.msk [tilespmem:v0+s26+$0x400 ss:$0x1], $0xffff;
	[tilespmem:s23+$0x20] =	vst v3  }
0x38: {  	v3 =	vld [tilespmem:s22+$0xFFFFFFE0];
	[tilespmem:s23+$0x30] =	vst v4  }
0x39: {  	v4 =	vld [tilespmem:s22+$0xFFFFFFF0];
	[tilespmem:s23+$0xFFFFFBF0] =	vst v7  }
0x3a: {  	v7 =	vld [tilespmem:s22+$0x0];
	[tilespmem:s23+$0x40] =	vst v1  }
0x3b: {  	v1 =	vld [tilespmem:s22+$0x10];
	[tilespmem:s23+$0x50] =	vst v2;
	s23 =	sadd.s32 $0x800, s23  }
0x3c: {  	s21 =	sadd.s32 $0x800, s21;
	v2 =	vld [tilespmem:s22+$0x20];
	[tilespmem:s23+$0x60] =	vst v6  }
0x3d: {  	v9 =	vld [tilespmem:s22+$0x30];
	[tilespmem:s21+$0x0] =	vst v5  }
0x3e: {  	[tilespmem:s23+$0xFFFFFC00] =	vst v8;
	v6 =	vld [tilespmem:s22+$0x3D0]  }
0x3f: {  	[tilespmem:s23+$0xFFFFFC10] =	vst v3;
	v5 =	vld [tilespmem:s22+$0x3E0]  }
.Ltmp3:
0x40: {  	[tilespmem:s23+$0xFFFFFC20] =	vst v4;
	v3 =	vld [tilespmem:s22+$0x3F0];
	(pc) =	sbr.rel @p2 .LBB1_4-.Ltmp3, $4  }
0x41: {  	[tilespmem:s23+$0xFFFFFC30] =	vst v7;
	v4 =	vld [tilespmem:s22+$0x400]  }
0x42: {  	[tilespmem:s23+$0xFFFFFC40] =	vst v1;
	v1 =	vld [tilespmem:s22+$0x410]  }
0x43: {  	[tilespmem:s23+$0xFFFFFC50] =	vst v2;
	v2 =	vld [tilespmem:s22+$0x420]  }
0x44: {  	s24 =	sadd.s32 $0x80, s24;
	s26 =	sand.u32 $0x300, s25;
	v7 =	vld [tilespmem:s22+$0xFFFFFFC0];
	[tilespmem:s23+$0xFFFFFC60] =	vst v9;
	s22 =	sadd.s32 $0x80, s22  }
0x45: {  	[tilespmem:s23+$0x0] =	vst v6  }
0x46: {  	[tilespmem:s23+$0x10] =	vst v5  }
0x47: {  	v49 =	vld [tilespmem:s22+$0x430];
	[tilespmem:s23+$0x20] =	vst v3  }
0x48: {  	v50 =	vld [tilespmem:s22+$0xFFFFFFD0];
	[tilespmem:s23+$0x30] =	vst v4  }
0x49: {  	v51 =	vld [tilespmem:s22+$0xFFFFFFE0];
	[tilespmem:s23+$0x40] =	vst v1  }
0x4a: {  	v52 =	vld [tilespmem:s22+$0xFFFFFFF0];
	[tilespmem:s23+$0x50] =	vst v2  }
0x4b: {  	s31 =	sadd.s32 $0x800, s23;
	v53 =	vld [tilespmem:s22+$0x0];
	[tilespmem:s23+$0xFFFFFBF0] =	vst v7  }
0x4c: {  	v54 =	vld [tilespmem:s22+$0x10];
	[tilespmem:s31+$0x60] =	vst v49  }
0x4d: {  	v55 =	vld [tilespmem:s22+$0x20];
	[tilespmem:s31+$0xFFFFFC00] =	vst v50  }
0x4e: {  	v56 =	vld [tilespmem:s22+$0x30];
	[tilespmem:s31+$0xFFFFFC10] =	vst v51  }
0x4f: {  	v57 =	vld [tilespmem:s22+$0x3D0];
	[tilespmem:s31+$0xFFFFFC20] =	vst v52  }
0x50: {  	v58 =	vld [tilespmem:s22+$0x3E0];
	[tilespmem:s31+$0xFFFFFC30] =	vst v53  }
0x51: {  	v59 =	vld [tilespmem:s22+$0x3F0];
	[tilespmem:s31+$0xFFFFFC40] =	vst v54  }
0x52: {  	v60 =	vld [tilespmem:s22+$0x400];
	[tilespmem:s31+$0xFFFFFC50] =	vst v55  }
0x53: {  	v61 =	vld [tilespmem:s22+$0xFFFFFFC0];
	[tilespmem:s31+$0xFFFFFC60] =	vst v56  }
0x54: {  	s24 =	sand.u32 $0x80, s25;
	s30 =	sadd.s32 s26, s16;
	v62 =	vld [tilespmem:s22+$0x410];
	[tilespmem:s31+$0x0] =	vst v57  }
0x55: {  	v63 =	vld [tilespmem:s22+$0x420];
	s20 =	sadd.s32 $0x1, s20;
	s24 =	sadd.s32 s24, s30;
	[tilespmem:s31+$0x10] =	vst v58  }
0x56: {  	p2 =	sne.s32 s20, $0x8;
	v0 =	vld.idx.msk [tilespmem:v0+s24+$0x400 ss:$0x1], $0xffff;
	[tilespmem:s31+$0x20] =	vst v59  }
.Ltmp4:
0x57: {  	[tilespmem:s31+$0x30] =	vst v60;
	(pc) =	sbr.rel @p2 .LBB1_3-.Ltmp4, $4  }
0x58: {  	[tilespmem:s31+$0xFFFFFBF0] =	vst v61  }
0x59: {  	[tilespmem:s31+$0x40] =	vst v62  }
0x5a: {  	s21 =	sadd.s32 $0x800, s21;
	s14 =	sadd.s32 $0x800, s14;
	[tilespmem:s31+$0x50] =	vst v63  }
0x5b: {  	s19 =	sadd.s32 $0x80, s19;
	p1 =	por !p1, !p1;
	s15 =	sadd.s32 $0x80, s15;
	[tilespmem:s21+$0x0] =	vst v0  }
0x5c: {  	s14 =	sshll.u32 s11, $0x8;
	s31 =	sshll.u32 s11, $0x7  }
.Ltmp5:
0x5d: {  	s14 =	sand.u32 $0x800, s14;
	s11 =	sand.u32 $0x380, s31;
	(pc) =	sbr.rel .LBB1_7-.Ltmp5, $4  }
0x5e: {  	s12 =	sshll.u32 s12, $0xC;
	s11 =	sor.u32 s11, s14  }
0x5f: {  	s12 =	sadd.s32 s2, s12;
	s11 =	sshrl.u32 s11, $0x3  }
0x60: {  	s11 =	sadd.s32 s11, s12  }
0x61: {  	[hbm4b:s11+s6] =	stream.strided.scatter [tilespmem:s13], [sflag:$0x2], $0x4000, s7, s6, $0x38;
	[tilespmem:$0x10000] =	vst v63  }
.LBB1_8:
0x62: {  	_ =	sfence.sel $0x180000  }
0x63: {  	s2 =	simm.s32 $0x1;
	[bflag:$0x0] =	sbarrier.arrive $0xFFFF  }
0x64: {  	s31 =	simm.s32 $0x2;
	[sflag:s2] =	ssyncpa.u1 $0x1  }
0x65: {  	[sflag:s31] =	ssyncpa.u1 $0x1  }
0x66: {  	p0 =	sne.s32 s1, $0x0;
	_ =	strace $0x90000047  }
0x67: {  	s0 =	sadd.s32 @!p0 $0x100000, s0;
	[bflag:$0x2] =	sbarrier.arrive $0xFFFF  }
0x68: {  	[sflag:s0] =	ssyncadd.tile.s32 @!p0 $0x1;
	_ =	shalt  }
.Lfunc_end1:
_tile_overlayer_lowered:
.L_overlay_start_2:
0x69: {  	(tag) =	ssettag $0x2  }
0x6a: {  	s0 =	rddreg [dreg:$0x0];
	s2 =	stileid.u32  }
0x6b: {  	s1 =	rddreg [dreg:$0x1];
	p0 =	sne.s32 s2, $0x0  }
0x6c: {  	s3 =	rddreg [dreg:$0x2];
	[bflag:$0x3] =	sbarrier.arrive $0xFFFF;
	s2 =	simm.s32 @!p0 $0x1C01  }
0x6d: {  	[timem:s3], [sflag:s2] =	dma.local @!p0 [hbm:s0], s1  }
0x6e: {  	s0 =	simm.s32 @!p0 $0x1  }
0x6f: {  	_ =	swait.ge @!p0 [sflag:s0], s1  }
0x70: {  	s1 =	ssub.s32 @!p0 $0x0, s1;
	[sflag:s0] =	ssyncset.done @!p0 $0x0  }
0x71: {  	[sflag:s0] =	ssyncadd.s32 @!p0 s1  }
0x72: {  	[bflag:$0x3] =	sbarrier.arrive $0xFFFF  }
0x73: {  	_ =	shalt  }

</sc_bundles>
